<compile_context>
chip_gen: v7x
topology: tpu7x:2x2x1
jax: 0.10.2.dev20260603
libtpu: 0.0.44.dev20260713+nightly
codegen_flags: <defaults>
</compile_context>

<pallas_src>
import jax
import jax.numpy as jnp
from jax import lax
from jax.experimental import pallas as pl
from jax.experimental.pallas import tpu as pltpu

B = 1
S = 2048
REL_NUM = 16
HEAD = 64
LANE = 128
FOLD = LANE // HEAD
SROWS = S * HEAD // LANE
ROWS_PER_BLOCK = 8


def _fanout_body(e_sm, e2_ref, w_ref, out_ref, slab_ref):
    i = pl.program_id(0)

    @pl.when(i == 0)
    def _build_slabs():
        w = w_ref[...]
        z = jnp.zeros((REL_NUM, HEAD), jnp.float32)
        w2 = jnp.concatenate(
            [
                jnp.concatenate([w, z], axis=1),
                jnp.concatenate([z, w], axis=1),
            ],
            axis=0,
        )
        e_even = e2_ref[:, 0:1]
        e_odd = e2_ref[:, 1:2]
        e_sel = jnp.concatenate(
            [
                jnp.broadcast_to(e_even, (SROWS, REL_NUM)),
                jnp.broadcast_to(e_odd, (SROWS, REL_NUM)),
            ],
            axis=1,
        )
        iota_c = lax.broadcasted_iota(jnp.int32, (SROWS, FOLD * REL_NUM), 1)
        r = lax.rem(iota_c, REL_NUM)
        for a in range(4):
            onehot = (r == (e_sel + 4 * a)).astype(jnp.float32)
            slab_ref[a] = jnp.dot(
                onehot, w2, preferred_element_type=jnp.float32
            )

    for k in range(ROWS_PER_BLOCK):
        a_k = e_sm[i * ROWS_PER_BLOCK + k]
        out_ref[k] = slab_ref[a_k]


@jax.jit
def kernel(evidence_type, W):
    e = evidence_type.reshape(S).astype(jnp.int32)
    e2 = e.reshape(SROWS, FOLD)

    grid_spec = pltpu.PrefetchScalarGridSpec(
        num_scalar_prefetch=1,
        grid=(S // ROWS_PER_BLOCK,),
        in_specs=[
            pl.BlockSpec((SROWS, FOLD), lambda i, e_sm: (0, 0)),
            pl.BlockSpec((REL_NUM, HEAD), lambda i, e_sm: (0, 0)),
        ],
        out_specs=pl.BlockSpec(
            (None, ROWS_PER_BLOCK, SROWS, LANE), lambda i, e_sm: (0, i, 0, 0)
        ),
        scratch_shapes=[pltpu.VMEM((4, SROWS, LANE), jnp.float32)],
    )

    out = pl.pallas_call(
        _fanout_body,
        grid_spec=grid_spec,
        out_shape=jax.ShapeDtypeStruct((B, S, SROWS, LANE), jnp.float32),
    )(e, e2, W)
    return out.reshape(B, S, S, HEAD)

# --- scband reference (transcript-rebuilt; emitter-appended) ---
"""Pipeline reference for scband-relation-embedding-40209483825288 (READ-ONLY COPY).

The authoritative reference and input builder live on the scoring server;
editing this copy changes nothing except your own understanding.
"""

import jax, jax.numpy as jnp
import numpy as np

B = 1
S = 2048
REL_NUM = 16
HEAD = 64  # hidden_size 768 / num_attention_heads 12, share_relation_across_head=True


def setup_inputs(seed: int = 0) -> dict:
    key = jax.random.key(seed)
    k1, k2 = jax.random.split(key)
    evidence_type = jax.random.randint(k1, (B, S), 0, 4, dtype=jnp.int32)
    W = jax.random.normal(k2, (REL_NUM, HEAD), dtype=jnp.float32)
    return {"evidence_type": evidence_type, "W": W}


def reference(evidence_type, W):
    # relation_type_num == 16 branch:
    # relation_matrix = evidence_type.unsqueeze(-1) * 4 + evidence_type.unsqueeze(-2)
    relation_matrix = evidence_type[..., :, None] * 4 + evidence_type[..., None, :]
    # nn.Embedding lookup -> gather rows of W
    embeddings = jnp.take(W, relation_matrix, axis=0)  # [B, S, S, HEAD]
    return embeddings

if __name__ == "__main__":
    import jax
    _d = setup_inputs()
    print(jax.jit(kernel)(*tuple(_d.values())))

</pallas_src>

<mosaic_0001>
module attributes {stable_mosaic.version = 14 : i64} {
  func.func @_fanout_body(%arg0: i32, %arg1: memref<2048xi32, #tpu.memory_space<smem>>, %arg2: memref<1024x2xi32, #tpu.memory_space<vmem>>, %arg3: memref<16x64xf32, #tpu.memory_space<vmem>>, %arg4: memref<1x8x1024x128xf32, #tpu.memory_space<vmem>>, %arg5: memref<4x1024x128xf32, #tpu.memory_space<vmem>>) attributes {dimension_semantics = [#tpu.dimension_semantics<arbitrary>], iteration_bounds = array<i64: 256>, scalar_prefetch = 1 : i64, scratch_operands = 1 : i64, tpu.core_type = #tpu.core_type<tc>, window_params = [{pipeline_mode = #tpu.pipeline_mode<synchronous>, transform_indices = @transform_0, window_bounds = array<i64: 1024, 2>}, {pipeline_mode = #tpu.pipeline_mode<synchronous>, transform_indices = @transform_1, window_bounds = array<i64: 16, 64>}, {transform_indices = @transform_2, window_bounds = array<i64: 1, 8, 1024, 128>}]} {
    %eq3A = arith.constant 0 : i32
    %eq3A_0 = arith.cmpi eq, %arg0, %eq3A : i32
    %convert_element_type3A = arith.extui %eq3A_0 : i1 to i32
    %cond3A = arith.constant 0 : i32
    %cond3A_1 = arith.cmpi ne, %convert_element_type3A, %cond3A : i32
    scf.if %cond3A_1 {
      %get3A_142 = arith.constant 0 : index
      %get3A_143 = arith.constant 0 : index
      %get3A_144 = vector.load %arg3[%get3A_142, %get3A_143] : memref<16x64xf32, #tpu.memory_space<vmem>>, vector<16x64xf32>
      %broadcast_in_dim3A = arith.constant 0.000000e+00 : f32
      %broadcast_in_dim3A_145 = vector.broadcast %broadcast_in_dim3A : f32 to vector<16x64xf32>
      %concatenate3A = tpu.concatenate %get3A_144, %broadcast_in_dim3A_145 in 1 : vector<16x64xf32>, vector<16x64xf32> -> vector<16x128xf32>
      %concatenate3A_146 = tpu.concatenate %broadcast_in_dim3A_145, %get3A_144 in 1 : vector<16x64xf32>, vector<16x64xf32> -> vector<16x128xf32>
      %concatenate3A_147 = tpu.concatenate %concatenate3A, %concatenate3A_146 in 0 : vector<16x128xf32>, vector<16x128xf32> -> vector<32x128xf32>
      %get3A_148 = arith.constant 0 : index
      %get3A_149 = arith.constant 0 : index
      %get3A_150 = vector.load %arg2[%get3A_148, %get3A_149] : memref<1024x2xi32, #tpu.memory_space<vmem>>, vector<1024x1xi32>
      %get3A_151 = arith.constant 0 : index
      %get3A_152 = arith.constant 1 : index
      %get3A_153 = vector.load %arg2[%get3A_151, %get3A_152] : memref<1024x2xi32, #tpu.memory_space<vmem>>, vector<1024x1xi32>
      %broadcast_in_dim3A_154 = vector.shape_cast %get3A_150 : vector<1024x1xi32> to vector<1024x1xi32>
      %broadcast_in_dim3A_155 = vector.broadcast %broadcast_in_dim3A_154 : vector<1024x1xi32> to vector<1024x16xi32>
      %broadcast_in_dim3A_156 = vector.shape_cast %get3A_153 : vector<1024x1xi32> to vector<1024x1xi32>
      %broadcast_in_dim3A_157 = vector.broadcast %broadcast_in_dim3A_156 : vector<1024x1xi32> to vector<1024x16xi32>
      %concatenate3A_158 = tpu.concatenate %broadcast_in_dim3A_155, %broadcast_in_dim3A_157 in 1 : vector<1024x16xi32>, vector<1024x16xi32> -> vector<1024x32xi32>
      %iota3A = tpu.iota {dimensions = array<i32: 1>} : vector<1024x32xi32>
      %rem3A = arith.constant 16 : i32
      %rem3A_159 = vector.broadcast %rem3A : i32 to vector<1024x32xi32>
      %rem3A_160 = arith.remsi %iota3A, %rem3A_159 : vector<1024x32xi32>
      %add3A_161 = arith.constant 0 : i32
      %add3A_162 = vector.broadcast %add3A_161 : i32 to vector<1024x32xi32>
      %add3A_163 = arith.addi %concatenate3A_158, %add3A_162 : vector<1024x32xi32>
      %eq3A_164 = arith.cmpi eq, %rem3A_160, %add3A_163 : vector<1024x32xi32>
      %convert_element_type3A_165 = arith.extui %eq3A_164 : vector<1024x32xi1> to vector<1024x32xi32>
      %convert_element_type3A_166 = arith.sitofp %convert_element_type3A_165 : vector<1024x32xi32> to vector<1024x32xf32>
      %dot_general3A = arith.constant dense<0.000000e+00> : vector<1024x128xf32>
      %dot_general3A_167 = tpu.matmul %convert_element_type3A_166, %concatenate3A_147, %dot_general3A {dimension_numbers = #tpu.dot_dimension_numbers<[1], [0], [0], [1], [0, 0, 1, 1], [], []>, transpose_lhs_hint = false} : vector<1024x32xf32>, vector<32x128xf32>, vector<1024x128xf32> -> vector<1024x128xf32>
      %swap3A_168 = arith.constant 0 : index
      %swap3A_169 = arith.constant 0 : index
      %swap3A_170 = arith.constant 0 : index
      %swap3A_171 = vector.load %arg5[%swap3A_168, %swap3A_169, %swap3A_170] : memref<4x1024x128xf32, #tpu.memory_space<vmem>>, vector<1x1024x128xf32>
      %swap3A_172 = vector.shape_cast %swap3A_171 : vector<1x1024x128xf32> to vector<1024x128xf32>
      %swap3A_173 = vector.shape_cast %dot_general3A_167 : vector<1024x128xf32> to vector<1x1024x128xf32>
      tpu.vector_store %arg5[%swap3A_168, %swap3A_169, %swap3A_170], %swap3A_173 {strides = array<i32>} : memref<4x1024x128xf32, #tpu.memory_space<vmem>>, vector<1x1024x128xf32>,
      %add3A_174 = arith.constant 4 : i32
      %add3A_175 = vector.broadcast %add3A_174 : i32 to vector<1024x32xi32>
      %add3A_176 = arith.addi %concatenate3A_158, %add3A_175 : vector<1024x32xi32>
      %eq3A_177 = arith.cmpi eq, %rem3A_160, %add3A_176 : vector<1024x32xi32>
      %convert_element_type3A_178 = arith.extui %eq3A_177 : vector<1024x32xi1> to vector<1024x32xi32>
      %convert_element_type3A_179 = arith.sitofp %convert_element_type3A_178 : vector<1024x32xi32> to vector<1024x32xf32>
      %dot_general3A_180 = arith.constant dense<0.000000e+00> : vector<1024x128xf32>
      %dot_general3A_181 = tpu.matmul %convert_element_type3A_179, %concatenate3A_147, %dot_general3A_180 {dimension_numbers = #tpu.dot_dimension_numbers<[1], [0], [0], [1], [0, 0, 1, 1], [], []>, transpose_lhs_hint = false} : vector<1024x32xf32>, vector<32x128xf32>, vector<1024x128xf32> -> vector<1024x128xf32>
      %swap3A_182 = arith.constant 1 : index
      %swap3A_183 = arith.constant 0 : index
      %swap3A_184 = arith.constant 0 : index
      %swap3A_185 = vector.load %arg5[%swap3A_182, %swap3A_183, %swap3A_184] : memref<4x1024x128xf32, #tpu.memory_space<vmem>>, vector<1x1024x128xf32>
      %swap3A_186 = vector.shape_cast %swap3A_185 : vector<1x1024x128xf32> to vector<1024x128xf32>
      %swap3A_187 = vector.shape_cast %dot_general3A_181 : vector<1024x128xf32> to vector<1x1024x128xf32>
      tpu.vector_store %arg5[%swap3A_182, %swap3A_183, %swap3A_184], %swap3A_187 {strides = array<i32>} : memref<4x1024x128xf32, #tpu.memory_space<vmem>>, vector<1x1024x128xf32>,
      %add3A_188 = arith.constant 8 : i32
      %add3A_189 = vector.broadcast %add3A_188 : i32 to vector<1024x32xi32>
      %add3A_190 = arith.addi %concatenate3A_158, %add3A_189 : vector<1024x32xi32>
      %eq3A_191 = arith.cmpi eq, %rem3A_160, %add3A_190 : vector<1024x32xi32>
      %convert_element_type3A_192 = arith.extui %eq3A_191 : vector<1024x32xi1> to vector<1024x32xi32>
      %convert_element_type3A_193 = arith.sitofp %convert_element_type3A_192 : vector<1024x32xi32> to vector<1024x32xf32>
      %dot_general3A_194 = arith.constant dense<0.000000e+00> : vector<1024x128xf32>
      %dot_general3A_195 = tpu.matmul %convert_element_type3A_193, %concatenate3A_147, %dot_general3A_194 {dimension_numbers = #tpu.dot_dimension_numbers<[1], [0], [0], [1], [0, 0, 1, 1], [], []>, transpose_lhs_hint = false} : vector<1024x32xf32>, vector<32x128xf32>, vector<1024x128xf32> -> vector<1024x128xf32>
      %swap3A_196 = arith.constant 2 : index
      %swap3A_197 = arith.constant 0 : index
      %swap3A_198 = arith.constant 0 : index
      %swap3A_199 = vector.load %arg5[%swap3A_196, %swap3A_197, %swap3A_198] : memref<4x1024x128xf32, #tpu.memory_space<vmem>>, vector<1x1024x128xf32>
      %swap3A_200 = vector.shape_cast %swap3A_199 : vector<1x1024x128xf32> to vector<1024x128xf32>
      %swap3A_201 = vector.shape_cast %dot_general3A_195 : vector<1024x128xf32> to vector<1x1024x128xf32>
      tpu.vector_store %arg5[%swap3A_196, %swap3A_197, %swap3A_198], %swap3A_201 {strides = array<i32>} : memref<4x1024x128xf32, #tpu.memory_space<vmem>>, vector<1x1024x128xf32>,
      %add3A_202 = arith.constant 12 : i32
      %add3A_203 = vector.broadcast %add3A_202 : i32 to vector<1024x32xi32>
      %add3A_204 = arith.addi %concatenate3A_158, %add3A_203 : vector<1024x32xi32>
      %eq3A_205 = arith.cmpi eq, %rem3A_160, %add3A_204 : vector<1024x32xi32>
      %convert_element_type3A_206 = arith.extui %eq3A_205 : vector<1024x32xi1> to vector<1024x32xi32>
      %convert_element_type3A_207 = arith.sitofp %convert_element_type3A_206 : vector<1024x32xi32> to vector<1024x32xf32>
      %dot_general3A_208 = arith.constant dense<0.000000e+00> : vector<1024x128xf32>
      %dot_general3A_209 = tpu.matmul %convert_element_type3A_207, %concatenate3A_147, %dot_general3A_208 {dimension_numbers = #tpu.dot_dimension_numbers<[1], [0], [0], [1], [0, 0, 1, 1], [], []>, transpose_lhs_hint = false} : vector<1024x32xf32>, vector<32x128xf32>, vector<1024x128xf32> -> vector<1024x128xf32>
      %swap3A_210 = arith.constant 3 : index
      %swap3A_211 = arith.constant 0 : index
      %swap3A_212 = arith.constant 0 : index
      %swap3A_213 = vector.load %arg5[%swap3A_210, %swap3A_211, %swap3A_212] : memref<4x1024x128xf32, #tpu.memory_space<vmem>>, vector<1x1024x128xf32>
      %swap3A_214 = vector.shape_cast %swap3A_213 : vector<1x1024x128xf32> to vector<1024x128xf32>
      %swap3A_215 = vector.shape_cast %dot_general3A_209 : vector<1024x128xf32> to vector<1x1024x128xf32>
      tpu.vector_store %arg5[%swap3A_210, %swap3A_211, %swap3A_212], %swap3A_215 {strides = array<i32>} : memref<4x1024x128xf32, #tpu.memory_space<vmem>>, vector<1x1024x128xf32>,
    } else {
    }
    %mul3A = arith.constant 8 : i32
    %mul3A_2 = arith.muli %arg0, %mul3A : i32
    %add3A = arith.constant 0 : i32
    %add3A_3 = arith.addi %mul3A_2, %add3A : i32
    %get3A = arith.index_cast %add3A_3 : i32 to index
    %get3A_4 = memref.load %arg1[%get3A] : memref<2048xi32, #tpu.memory_space<smem>>
    %get3A_5 = arith.index_cast %get3A_4 : i32 to index
    %get3A_6 = arith.constant 0 : index
    %get3A_7 = arith.constant 0 : index
    %get3A_8 = vector.load %arg5[%get3A_5, %get3A_6, %get3A_7] : memref<4x1024x128xf32, #tpu.memory_space<vmem>>, vector<1x1024x128xf32>
    %get3A_9 = vector.shape_cast %get3A_8 : vector<1x1024x128xf32> to vector<1024x128xf32>
    %swap3A = arith.constant 0 : index
    %swap3A_10 = arith.constant 0 : index
    %swap3A_11 = arith.constant 0 : index
    %swap3A_12 = arith.constant 0 : index
    %swap3A_13 = vector.load %arg4[%swap3A, %swap3A_10, %swap3A_11, %swap3A_12] : memref<1x8x1024x128xf32, #tpu.memory_space<vmem>>, vector<1x1x1024x128xf32>
    %swap3A_14 = vector.shape_cast %swap3A_13 : vector<1x1x1024x128xf32> to vector<1024x128xf32>
    %swap3A_15 = vector.shape_cast %get3A_9 : vector<1024x128xf32> to vector<1x1x1024x128xf32>
    tpu.vector_store %arg4[%swap3A, %swap3A_10, %swap3A_11, %swap3A_12], %swap3A_15 {strides = array<i32>} : memref<1x8x1024x128xf32, #tpu.memory_space<vmem>>, vector<1x1x1024x128xf32>,
    %mul3A_16 = arith.constant 8 : i32
    %mul3A_17 = arith.muli %arg0, %mul3A_16 : i32
    %add3A_18 = arith.constant 1 : i32
    %add3A_19 = arith.addi %mul3A_17, %add3A_18 : i32
    %get3A_20 = arith.index_cast %add3A_19 : i32 to index
    %get3A_21 = memref.load %arg1[%get3A_20] : memref<2048xi32, #tpu.memory_space<smem>>
    %get3A_22 = arith.index_cast %get3A_21 : i32 to index
    %get3A_23 = arith.constant 0 : index
    %get3A_24 = arith.constant 0 : index
    %get3A_25 = vector.load %arg5[%get3A_22, %get3A_23, %get3A_24] : memref<4x1024x128xf32, #tpu.memory_space<vmem>>, vector<1x1024x128xf32>
    %get3A_26 = vector.shape_cast %get3A_25 : vector<1x1024x128xf32> to vector<1024x128xf32>
    %swap3A_27 = arith.constant 0 : index
    %swap3A_28 = arith.constant 1 : index
    %swap3A_29 = arith.constant 0 : index
    %swap3A_30 = arith.constant 0 : index
    %swap3A_31 = vector.load %arg4[%swap3A_27, %swap3A_28, %swap3A_29, %swap3A_30] : memref<1x8x1024x128xf32, #tpu.memory_space<vmem>>, vector<1x1x1024x128xf32>
    %swap3A_32 = vector.shape_cast %swap3A_31 : vector<1x1x1024x128xf32> to vector<1024x128xf32>
    %swap3A_33 = vector.shape_cast %get3A_26 : vector<1024x128xf32> to vector<1x1x1024x128xf32>
    tpu.vector_store %arg4[%swap3A_27, %swap3A_28, %swap3A_29, %swap3A_30], %swap3A_33 {strides = array<i32>} : memref<1x8x1024x128xf32, #tpu.memory_space<vmem>>, vector<1x1x1024x128xf32>,
    %mul3A_34 = arith.constant 8 : i32
    %mul3A_35 = arith.muli %arg0, %mul3A_34 : i32
    %add3A_36 = arith.constant 2 : i32
    %add3A_37 = arith.addi %mul3A_35, %add3A_36 : i32
    %get3A_38 = arith.index_cast %add3A_37 : i32 to index
    %get3A_39 = memref.load %arg1[%get3A_38] : memref<2048xi32, #tpu.memory_space<smem>>
    %get3A_40 = arith.index_cast %get3A_39 : i32 to index
    %get3A_41 = arith.constant 0 : index
    %get3A_42 = arith.constant 0 : index
    %get3A_43 = vector.load %arg5[%get3A_40, %get3A_41, %get3A_42] : memref<4x1024x128xf32, #tpu.memory_space<vmem>>, vector<1x1024x128xf32>
    %get3A_44 = vector.shape_cast %get3A_43 : vector<1x1024x128xf32> to vector<1024x128xf32>
    %swap3A_45 = arith.constant 0 : index
    %swap3A_46 = arith.constant 2 : index
    %swap3A_47 = arith.constant 0 : index
    %swap3A_48 = arith.constant 0 : index
    %swap3A_49 = vector.load %arg4[%swap3A_45, %swap3A_46, %swap3A_47, %swap3A_48] : memref<1x8x1024x128xf32, #tpu.memory_space<vmem>>, vector<1x1x1024x128xf32>
    %swap3A_50 = vector.shape_cast %swap3A_49 : vector<1x1x1024x128xf32> to vector<1024x128xf32>
    %swap3A_51 = vector.shape_cast %get3A_44 : vector<1024x128xf32> to vector<1x1x1024x128xf32>
    tpu.vector_store %arg4[%swap3A_45, %swap3A_46, %swap3A_47, %swap3A_48], %swap3A_51 {strides = array<i32>} : memref<1x8x1024x128xf32, #tpu.memory_space<vmem>>, vector<1x1x1024x128xf32>,
    %mul3A_52 = arith.constant 8 : i32
    %mul3A_53 = arith.muli %arg0, %mul3A_52 : i32
    %add3A_54 = arith.constant 3 : i32
    %add3A_55 = arith.addi %mul3A_53, %add3A_54 : i32
    %get3A_56 = arith.index_cast %add3A_55 : i32 to index
    %get3A_57 = memref.load %arg1[%get3A_56] : memref<2048xi32, #tpu.memory_space<smem>>
    %get3A_58 = arith.index_cast %get3A_57 : i32 to index
    %get3A_59 = arith.constant 0 : index
    %get3A_60 = arith.constant 0 : index
    %get3A_61 = vector.load %arg5[%get3A_58, %get3A_59, %get3A_60] : memref<4x1024x128xf32, #tpu.memory_space<vmem>>, vector<1x1024x128xf32>
    %get3A_62 = vector.shape_cast %get3A_61 : vector<1x1024x128xf32> to vector<1024x128xf32>
    %swap3A_63 = arith.constant 0 : index
    %swap3A_64 = arith.constant 3 : index
    %swap3A_65 = arith.constant 0 : index
    %swap3A_66 = arith.constant 0 : index
    %swap3A_67 = vector.load %arg4[%swap3A_63, %swap3A_64, %swap3A_65, %swap3A_66] : memref<1x8x1024x128xf32, #tpu.memory_space<vmem>>, vector<1x1x1024x128xf32>
    %swap3A_68 = vector.shape_cast %swap3A_67 : vector<1x1x1024x128xf32> to vector<1024x128xf32>
    %swap3A_69 = vector.shape_cast %get3A_62 : vector<1024x128xf32> to vector<1x1x1024x128xf32>
    tpu.vector_store %arg4[%swap3A_63, %swap3A_64, %swap3A_65, %swap3A_66], %swap3A_69 {strides = array<i32>} : memref<1x8x1024x128xf32, #tpu.memory_space<vmem>>, vector<1x1x1024x128xf32>,
    %mul3A_70 = arith.constant 8 : i32
    %mul3A_71 = arith.muli %arg0, %mul3A_70 : i32
    %add3A_72 = arith.constant 4 : i32
    %add3A_73 = arith.addi %mul3A_71, %add3A_72 : i32
    %get3A_74 = arith.index_cast %add3A_73 : i32 to index
    %get3A_75 = memref.load %arg1[%get3A_74] : memref<2048xi32, #tpu.memory_space<smem>>
    %get3A_76 = arith.index_cast %get3A_75 : i32 to index
    %get3A_77 = arith.constant 0 : index
    %get3A_78 = arith.constant 0 : index
    %get3A_79 = vector.load %arg5[%get3A_76, %get3A_77, %get3A_78] : memref<4x1024x128xf32, #tpu.memory_space<vmem>>, vector<1x1024x128xf32>
    %get3A_80 = vector.shape_cast %get3A_79 : vector<1x1024x128xf32> to vector<1024x128xf32>
    %swap3A_81 = arith.constant 0 : index
    %swap3A_82 = arith.constant 4 : index
    %swap3A_83 = arith.constant 0 : index
    %swap3A_84 = arith.constant 0 : index
    %swap3A_85 = vector.load %arg4[%swap3A_81, %swap3A_82, %swap3A_83, %swap3A_84] : memref<1x8x1024x128xf32, #tpu.memory_space<vmem>>, vector<1x1x1024x128xf32>
    %swap3A_86 = vector.shape_cast %swap3A_85 : vector<1x1x1024x128xf32> to vector<1024x128xf32>
    %swap3A_87 = vector.shape_cast %get3A_80 : vector<1024x128xf32> to vector<1x1x1024x128xf32>
    tpu.vector_store %arg4[%swap3A_81, %swap3A_82, %swap3A_83, %swap3A_84], %swap3A_87 {strides = array<i32>} : memref<1x8x1024x128xf32, #tpu.memory_space<vmem>>, vector<1x1x1024x128xf32>,
    %mul3A_88 = arith.constant 8 : i32
    %mul3A_89 = arith.muli %arg0, %mul3A_88 : i32
    %add3A_90 = arith.constant 5 : i32
    %add3A_91 = arith.addi %mul3A_89, %add3A_90 : i32
    %get3A_92 = arith.index_cast %add3A_91 : i32 to index
    %get3A_93 = memref.load %arg1[%get3A_92] : memref<2048xi32, #tpu.memory_space<smem>>
    %get3A_94 = arith.index_cast %get3A_93 : i32 to index
    %get3A_95 = arith.constant 0 : index
    %get3A_96 = arith.constant 0 : index
    %get3A_97 = vector.load %arg5[%get3A_94, %get3A_95, %get3A_96] : memref<4x1024x128xf32, #tpu.memory_space<vmem>>, vector<1x1024x128xf32>
    %get3A_98 = vector.shape_cast %get3A_97 : vector<1x1024x128xf32> to vector<1024x128xf32>
    %swap3A_99 = arith.constant 0 : index
    %swap3A_100 = arith.constant 5 : index
    %swap3A_101 = arith.constant 0 : index
    %swap3A_102 = arith.constant 0 : index
    %swap3A_103 = vector.load %arg4[%swap3A_99, %swap3A_100, %swap3A_101, %swap3A_102] : memref<1x8x1024x128xf32, #tpu.memory_space<vmem>>, vector<1x1x1024x128xf32>
    %swap3A_104 = vector.shape_cast %swap3A_103 : vector<1x1x1024x128xf32> to vector<1024x128xf32>
    %swap3A_105 = vector.shape_cast %get3A_98 : vector<1024x128xf32> to vector<1x1x1024x128xf32>
    tpu.vector_store %arg4[%swap3A_99, %swap3A_100, %swap3A_101, %swap3A_102], %swap3A_105 {strides = array<i32>} : memref<1x8x1024x128xf32, #tpu.memory_space<vmem>>, vector<1x1x1024x128xf32>,
    %mul3A_106 = arith.constant 8 : i32
    %mul3A_107 = arith.muli %arg0, %mul3A_106 : i32
    %add3A_108 = arith.constant 6 : i32
    %add3A_109 = arith.addi %mul3A_107, %add3A_108 : i32
    %get3A_110 = arith.index_cast %add3A_109 : i32 to index
    %get3A_111 = memref.load %arg1[%get3A_110] : memref<2048xi32, #tpu.memory_space<smem>>
    %get3A_112 = arith.index_cast %get3A_111 : i32 to index
    %get3A_113 = arith.constant 0 : index
    %get3A_114 = arith.constant 0 : index
    %get3A_115 = vector.load %arg5[%get3A_112, %get3A_113, %get3A_114] : memref<4x1024x128xf32, #tpu.memory_space<vmem>>, vector<1x1024x128xf32>
    %get3A_116 = vector.shape_cast %get3A_115 : vector<1x1024x128xf32> to vector<1024x128xf32>
    %swap3A_117 = arith.constant 0 : index
    %swap3A_118 = arith.constant 6 : index
    %swap3A_119 = arith.constant 0 : index
    %swap3A_120 = arith.constant 0 : index
    %swap3A_121 = vector.load %arg4[%swap3A_117, %swap3A_118, %swap3A_119, %swap3A_120] : memref<1x8x1024x128xf32, #tpu.memory_space<vmem>>, vector<1x1x1024x128xf32>
    %swap3A_122 = vector.shape_cast %swap3A_121 : vector<1x1x1024x128xf32> to vector<1024x128xf32>
    %swap3A_123 = vector.shape_cast %get3A_116 : vector<1024x128xf32> to vector<1x1x1024x128xf32>
    tpu.vector_store %arg4[%swap3A_117, %swap3A_118, %swap3A_119, %swap3A_120], %swap3A_123 {strides = array<i32>} : memref<1x8x1024x128xf32, #tpu.memory_space<vmem>>, vector<1x1x1024x128xf32>,
    %mul3A_124 = arith.constant 8 : i32
    %mul3A_125 = arith.muli %arg0, %mul3A_124 : i32
    %add3A_126 = arith.constant 7 : i32
    %add3A_127 = arith.addi %mul3A_125, %add3A_126 : i32
    %get3A_128 = arith.index_cast %add3A_127 : i32 to index
    %get3A_129 = memref.load %arg1[%get3A_128] : memref<2048xi32, #tpu.memory_space<smem>>
    %get3A_130 = arith.index_cast %get3A_129 : i32 to index
    %get3A_131 = arith.constant 0 : index
    %get3A_132 = arith.constant 0 : index
    %get3A_133 = vector.load %arg5[%get3A_130, %get3A_131, %get3A_132] : memref<4x1024x128xf32, #tpu.memory_space<vmem>>, vector<1x1024x128xf32>
    %get3A_134 = vector.shape_cast %get3A_133 : vector<1x1024x128xf32> to vector<1024x128xf32>
    %swap3A_135 = arith.constant 0 : index
    %swap3A_136 = arith.constant 7 : index
    %swap3A_137 = arith.constant 0 : index
    %swap3A_138 = arith.constant 0 : index
    %swap3A_139 = vector.load %arg4[%swap3A_135, %swap3A_136, %swap3A_137, %swap3A_138] : memref<1x8x1024x128xf32, #tpu.memory_space<vmem>>, vector<1x1x1024x128xf32>
    %swap3A_140 = vector.shape_cast %swap3A_139 : vector<1x1x1024x128xf32> to vector<1024x128xf32>
    %swap3A_141 = vector.shape_cast %get3A_134 : vector<1024x128xf32> to vector<1x1x1024x128xf32>
    tpu.vector_store %arg4[%swap3A_135, %swap3A_136, %swap3A_137, %swap3A_138], %swap3A_141 {strides = array<i32>} : memref<1x8x1024x128xf32, #tpu.memory_space<vmem>>, vector<1x1x1024x128xf32>,
    return
  }
  func.func @transform_0(%arg0: i32, %arg1: memref<2048xi32, #tpu.memory_space<smem>>) -> (i32, i32) {
    %c0_i32 = arith.constant 0 : i32
    %c0_i32_0 = arith.constant 0 : i32
    %c0_i32_1 = arith.constant 0 : i32
    return %c0_i32, %c0_i32_0 : i32, i32
  }
  func.func @transform_1(%arg0: i32, %arg1: memref<2048xi32, #tpu.memory_space<smem>>) -> (i32, i32) {
    %c0_i32 = arith.constant 0 : i32
    %c0_i32_0 = arith.constant 0 : i32
    %c0_i32_1 = arith.constant 0 : i32
    return %c0_i32, %c0_i32_0 : i32, i32
  }
  func.func @transform_2(%arg0: i32, %arg1: memref<2048xi32, #tpu.memory_space<smem>>) -> (i32, i32, i32, i32) {
    %c0_i32 = arith.constant 0 : i32
    %c0_i32_0 = arith.constant 0 : i32
    %c0_i32_1 = arith.constant 0 : i32
    %c0_i32_2 = arith.constant 0 : i32
    return %c0_i32, %arg0, %c0_i32_0, %c0_i32_1 : i32, i32, i32, i32
  }
}

</mosaic_0001>

<sc_bundles>
// kernel: sparse-core-data-format-call.cloned.1.call-start
scs
called_computation_lowered:
.L_overlay_start_0:
0x0: {  	s2 =	sld [smem:$0x3FD9]  }
0x1: {  	s3 =	sld [smem:$0x3FFE];
	_ =	sdelay $0x1  }
0x2: {  	s1 =	srdreg.scid  }
0x3: {  	s0 =	sand.u32 $0x1, s1  }
0x4: {  	s18 =	sshll.u32 s0, $0xA;
	s2 =	sadd.s32 s3, s2  }
0x5: {  	s2 =	sadd.s32 s2, s18  }
0x6: {  	[smem:$0x3FC6] =	sst s2  }
0x7: {  	_ = 	snop  }
0x8: {  	s2 =	sld [smem:$0x3FD0];
	(tm) =	ssettm $0x1  }
0x9: {  	s19 =	sld [smem:$0x3FFB];
	_ =	sdelay $0x3  }
0xa: {  	_ =	strace s19  }
0xb: {  	s3 =	sld [smem:$0x3FFC];
	_ =	sdelay $0x3  }
0xc: {  	_ =	strace s3  }
0xd: {  	s3 =	sld [smem:$0x3FFD];
	_ =	sdelay $0x3  }
0xe: {  	_ =	strace s3  }
0xf: {  	_ =	strace $0x8FFFFFFF  }
0x10: {  	s20 =	sld [smem:$0x3FDB];
	_ =	sdelay $0x1  }
0x11: {  	s4 =	simm.s32 $_scs_section_size  }
0x12: {  	s5 =	simm.s32 $_size__tile_overlayer_lowered;
	s6 =	simm.s32 $_tile_overlayer_lowered  }
0x13: {  	s23 =	simm.s32 $0x1BFF;
	s22 =	sshll.u32 s6, $0x1;
	s3 =	sadd.s32 s4, s20  }
0x14: {  	s7 =	simm.s32 $0x0;
	s21 =	sshll.u32 s5, $0x1;
	s5 =	sadd.s32 s22, s3  }
0x15: {  	[timem:s7], [sflag:s23] =	dma.local [hbm:s5], s21  }
0x16: {  	_ =	swait.ge [sflag:s23], s21  }
0x17: {  	s4 =	ssub.s32 $0x0, s21;
	[sflag:s23] =	ssyncset.done $0x0  }
0x18: {  	[sflag:s23] =	ssyncadd.s32 s4;
	_ =	sdelay $0x1  }
0x19: {  	s24 =	simm.s32 $0x1B8B  }
0x1a: {  	_ =	swait.ge [sflag:s24], $0x1  }
0x1b: {  	[sflag:s24] =	ssyncset.done $0x0  }
0x1c: {  	s26 =	simm.s32 $0x1B8E;
	s25 =	sld [smem:$0x3FFE];
	[sflag:s24] =	ssyncadd.s32 $0xFFFFFFFF  }
0x1d: {  	s27 =	simm.s32 $execute0_lowered;
	[smem:$0x3FD2] =	sst s26  }
0x1e: {  	s5 =	sshll.u32 s27, $0x1;
	_ =	strace $0x80000046;
	[dreg:$0x1] =	wrdreg $0xFFFFFFFF  }
0x1f: {  	s28 =	simm.s32 $_size_execute0_lowered;
	s3 =	sadd.s32 s3, s5;
	[dreg:$0x0] =	wrdreg $0x0  }
0x20: {  	s5 =	sshll.u32 s28, $0x1;
	[dreg:$0x2] =	wrdreg s3  }
0x21: {  	[dreg:$0x3] =	wrdreg s5  }
0x22: {  	[dreg:$0x4] =	wrdreg $0xC0  }
0x23: {  	_ =	task [dreg:s7], $0x5FFFF  }
0x24: {  	[dreg:$0x1] =	wrdreg $0xFFFFFFFF  }
0x25: {  	[dreg:$0x0] =	wrdreg $0x60  }
0x26: {  	[dreg:$0x2] =	wrdreg s25  }
0x27: {  	[dreg:$0x3] =	wrdreg s2  }
0x28: {  	[dreg:$0x4] =	wrdreg $0x9  }
0x29: {  	_ =	task.clear_ibuf [dreg:s7], $0x5FFFF;
	_ =	strace $0x90000046  }
0x2a: {  	s29 =	simm.s32 $0x9;
	_ =	strace $0x80000048  }
0x2b: {  	_ =	swait.ge [sflag:s29], $0x1  }
0x2c: {  	[sflag:s29] =	ssyncadd.s32 $0xFFFFFFFF  }
0x2d: {  	_ =	strace $0x90000048  }
0x2e: {  	_ =	sfence  }
0x2f: {  	s30 =	sld [smem:$0x0];
	_ =	sdelay $0x2  }
0x30: {  	s31 =	sshll.u32 s1, $0xD;
	s1 =	sshrl.u32 s1, $0x2  }
0x31: {  	s3 =	sand.u32 $0x4000, s31;
	s1 =	sadd.s32 s1, s30  }
0x32: {  	s0 =	sor.u32 s3, s0;
	s1 =	sshll.u32 s1, $0x11  }
0x33: {  	s0 =	sor.u32 s1, s0  }
0x34: {  	s0 =	sadd.s32 $0x8F2B, s0  }
0x35: {  	[sflag:s0] =	ssyncadd.remote.s32 $0x1  }
0x36: {  	_ =	sfence.sel $0xFFFF  }
0x37: {  	[dreg:$0x0] =	wrdreg $0xFFFFFFFF;
	(pc) =	sbr.abs _section_cstart, $3  }
0x38: {  	[dreg:$0x1] =	wrdreg $0xFFFFFFFF  }
0x39: {  	_ =	task.clear_ibuf [dreg:s7], $0x2FFFF;
	_ =	strace $0x9FFFFFFF  }
0x3a: {  	(tm) =	ssettm $0x7FFFFFFF  }
0x3b: {  	_ =	shalt  }
tec
execute0_lowered:
.L_overlay_start_1:
0x0: {  	(tag) =	ssettag $0x1  }
0x1: {  	s0 =	stileid.u32  }
0x2: {  	s2 =	srdreg.scid;
	s5 =	rddreg [dreg:$0x0]  }
0x3: {  	s6 =	simm.s32 $0x1;
	s31 =	simm.s32 $0x2;
	s14 =	simm.s32 $0x0  }
0x4: {  	s9 =	simm.s32 $0x20000;
	s16 =	simm.s32 $0x0;
	s1 =	sshll.u32 s0, $0x7  }
0x5: {  	s15 =	simm.s32 $0x0;
	s10 =	simm.s32 $0x0;
	s3 =	ssub.s32 $0x800, s1  }
0x6: {  	s13 =	simm.s32 $0x0;
	s2 =	sand.u32 $0x1, s2;
	s4 =	sand.u32 $0x780, s3  }
0x7: {  	s5 =	sadd.s32 $0x400, s5;
	s7 =	ssub.s32 $0x40, s2;
	p0 =	sne.s32 s4, $0x0  }
0x8: {  	s3 =	sshrl.u32 s3, $0xB;
	s8 =	sshrl.u32 s7, $0x1;
	s6 =	simm.s32 @!p0 $0x0  }
.Ltmp0:
0x9: {  	s7 =	ssub.s32 s7, s8;
	s6 =	sadd.s32 s6, s3;
	(pc) =	sbr.rel .LBB1_1-.Ltmp0, $4  }
0xa: {  	s11 =	smov.u32 s2;
	s4 =	rddreg [dreg:$0x1];
	s7 =	smul.u32 s6, s7  }
0xb: {  	s3 =	rddreg [dreg:$0x2];
	_ =	strace $0x80000047;
	s6 =	simm.s32 $0x1  }
0xc: {  	s12 =	smov.u32 s1;
	[sflag:s6] =	ssyncpa.u1 $0x0;
	s7 =	sshll.u32 s7, $0x4  }
0xd: {  	p0 =	por $0x0, $0x0;
	[sflag:s31] =	ssyncpa.u1 $0x0;
	s8 =	sor.u32 $0x1, s7  }
.LBB1_4:
0xe: {  	v5 =	vld [tilespmem:s19+$0xFFFFFFD0];
	[tilespmem:s20+$0x2040 ss:$0x81] =	vst.msk $0xffff, v1  }
0xf: {  	v58 =	vld [tilespmem:s19+$0xFFFFFFE0];
	[tilespmem:s20+$0x2850 ss:$0x81] =	vst.msk $0xffff, v2  }
0x10: {  	s21 =	sshra.s32 s21, $0x2;
	v59 =	vld [tilespmem:s19+$0xFFFFFFF0];
	[tilespmem:s20+$0x3060 ss:$0x81] =	vst.msk $0xffff, v3  }
0x11: {  	v60 =	vld [tilespmem:s19+$0x0];
	[tilespmem:s20+$0x0 ss:$0x81] =	vst.msk $0xffff, v0;
	s18 =	sadd.s32 s21, s18  }
0x12: {  	v61 =	vld [tilespmem:s19+$0x10];
	s26 =	sshll.u32 s16, $0xB;
	[tilespmem:s18+$0x3870 ss:$0x81] =	vst.msk $0xffff, v4  }
0x13: {  	v62 =	vld [tilespmem:s19+$0x20];
	s27 =	sand.u32 $0x78, s15;
	s22 =	sshll.u32 s15, $0x3;
	s29 =	sshll.u32 s16, $0x7;
	[tilespmem:s18+$0x810 ss:$0x81] =	vst.msk $0xffff, v5  }
0x14: {  	v63 =	vld [tilespmem:s19+$0xFFFFFFC0];
	s14 =	sshll.u32 s14, $0xE;
	s20 =	sand.u32 $0x1C000, s26;
	s28 =	sand.u32 $0x1FC00, s22;
	[tilespmem:s18+$0x1020 ss:$0x81] =	vst.msk $0xffff, v58  }
0x15: {  	s31 =	sand.u32 $0x7, s15;
	s22 =	sand.u32 $0x400, s22;
	s19 =	sadd.s32 s28, s20;
	[tilespmem:s18+$0x1830 ss:$0x81] =	vst.msk $0xffff, v59  }
0x16: {  	s16 =	sand.u32 $0x380, s29;
	s30 =	sor.u32 s27, s22;
	s19 =	sshrl.u32 s19, $0x3;
	[tilespmem:s18+$0x2040 ss:$0x81] =	vst.msk $0xffff, v60  }
0x17: {  	s14 =	sadd.s32 s4, s14;
	s16 =	sor.u32 s16, s30;
	s19 =	sand.u32 $0x3F00, s19;
	[tilespmem:s18+$0x2850 ss:$0x81] =	vst.msk $0xffff, v61  }
0x18: {  	s15 =	sshll.u32 s31, $0x12;
	s16 =	sshrl.u32 s16, $0x3;
	[tilespmem:s18+$0x3060 ss:$0x81] =	vst.msk $0xffff, v62;
	s14 =	sadd.s32 s19, s14  }
0x19: {  	s15 =	sor.u32 $0x80, s15;
	[tilespmem:s18+$0x0 ss:$0x81] =	vst.msk $0xffff, v63;
	s14 =	sadd.s32 s16, s14  }
0x1a: {  	[hbm4b:s14+s15] =	stream.strided.scatter [tilespmem:s17], [sflag:$0x2], $0x4000, s9, s15, $0x20;
	[tilespmem:$0x10100] =	vst v63  }
.LBB1_5:
0x1b: {  	s17 =	sadd.s32 $0x80, s10  }
0x1c: {  	s14 =	sadd.s32 $0x2, s11;
	s18 =	smov.u32 s11;
	p2 =	sgt.s32 s17, $0x7FF  }
0x1d: {  	s18 =	smov.u32 @p2 s14  }
0x1e: {  	s20 =	smov.u32 s12;
	s14 =	sadd.s32 $0x800, s12;
	p3 =	sgt.s32 s18, $0x3F  }
0x1f: {  	s20 =	smov.u32 @p3 s14  }
0x20: {  	s17 =	simm.s32 @p2 $0x0;
	p2 =	sgt.s32 s20, $0x7FF  }
0x21: {  	p1 =	slt.u32 s13, $0x2;
	s20 =	smov.u32 @p2 s1;
	p2 =	sne.s32 s13, s8  }
.Ltmp1:
0x22: {  	s19 =	simm.s32 @!p1 $0x2;
	(pc) =	sbr.rel @!p2 .LBB1_6-.Ltmp1, $4  }
0x23: {  	s16 =	smov.u32 s11;
	s15 =	smov.u32 s12;
	_ =	swait.ge @!p1 [sflag:s19], $0x4000  }
0x24: {  	p0 =	por !p0, !p0;
	[sflag:s19] =	ssyncset.done @!p1 $0x0;
	s18 =	smov.u32 @p3 s2  }
0x25: {  	s14 =	smov.u32 s10;
	[sflag:s19] =	ssyncadd.s32 @!p1 $0xFFFFC000;
	s10 =	smov.u32 s17  }
0x26: {  	s11 =	smov.u32 s18;
	s13 =	sadd.s32 $0x1, s13;
	s12 =	smov.u32 s20  }
.LBB1_1:
0x27: {  	p1 =	sge.u32 s13, s7;
	s31 =	sadd.s32 $0xFFFFFFFF, s13  }
0x28: {  	s17 =	sxor.u32 @!p1 $0xFFFFFFFF, s13;
	s18 =	sand.u32 @!p1 $0x78, s10;
	s19 =	sshll.u32 @!p1 s11, $0xB  }
0x29: {  	s20 =	sshll.u32 @!p1 s11, $0x7;
	s21 =	sshll.u32 @!p1 s10, $0x3;
	s17 =	sshll.u32 @!p1 s17, $0xE  }
0x2a: {  	s19 =	sand.u32 @!p1 $0x1C000, s19;
	s20 =	sand.u32 @!p1 $0x380, s20;
	s17 =	sand.u32 @!p1 $0x4000, s17  }
0x2b: {  	s19 =	sadd.s32 @!p1 s19, s21;
	s21 =	sand.u32 @!p1 $0x400, s21;
	s18 =	sor.u32 @!p1 s20, s18  }
0x2c: {  	s20 =	sshll.u32 @!p1 s12, $0xE;
	s18 =	sor.u32 @!p1 s21, s18;
	s19 =	sshrl.u32 @!p1 s19, $0x3  }
0x2d: {  	s20 =	sadd.s32 @!p1 s5, s20;
	s21 =	sand.u32 @!p1 $0x7, s10;
	s19 =	sand.u32 @!p1 $0x3F00, s19  }
0x2e: {  	s18 =	sshrl.u32 @!p1 s18, $0x3;
	s19 =	sadd.s32 @!p1 s19, s20;
	s20 =	sshll.u32 @!p1 s21, $0x12  }
0x2f: {  	s18 =	sadd.s32 @!p1 s18, s19;
	s19 =	sor.u32 @!p1 $0x80, s20;
	s20 =	simm.s32 @!p1 $0x20000  }
0x30: {  	[tilespmem:s17], [sflag:$0x1] =	stream.strided.gather @!p1 [hbm4b:s18+s19], $0x4000, s20, s19, $0x38;
	[tilespmem:$0x10100] =	vst v63  }
0x31: {  	p1 =	sge.u32 s31, s7  }
.Ltmp2:
0x32: {  	_ = 	snop;
	(pc) =	sbr.rel @p1 .LBB1_5-.Ltmp2, $1  }
0x33: {  	_ =	sdelay $0x3  }
0x34: {  	s17 =	simm.s32 $0x1  }
0x35: {  	_ =	swait.ge [sflag:s6], $0x4000;
	s17 =	simm.s32 @!p0 $0x0  }
0x36: {  	[sflag:s6] =	ssyncset.done $0x0;
	s18 =	sshll.u32 s17, $0xE  }
0x37: {  	[sflag:s6] =	ssyncadd.s32 $0xFFFFC000;
	s19 =	sor.u32 $0x40, s18  }
0x38: {  	s17 =	smul.u32 $0x10200, s17;
	v0 =	vld [tilespmem:s19+$0x30]  }
0x39: {  	v3 =	vld [tilespmem:s19+$0xFFFFFFD0]  }
0x3a: {  	s17 =	sshrl.u32 s17, $0x2;
	v4 =	vld [tilespmem:s19+$0xFFFFFFE0]  }
0x3b: {  	v5 =	vld [tilespmem:s19+$0xFFFFFFF0];
	s18 =	sor.u32 $0x8000, s17  }
0x3c: {  	s31 =	sand.u32 $0x1, s13;
	v1 =	vld [tilespmem:s19+$0x0];
	s20 =	sadd.s32 $0x0, s18  }
0x3d: {  	v2 =	vld [tilespmem:s19+$0x10];
	s17 =	smul.u32 $0x10200, s31;
	[tilespmem:s20+$0x3870 ss:$0x81] =	vst.msk $0xffff, v0  }
0x3e: {  	[tilespmem:s20+$0x810 ss:$0x81] =	vst.msk $0xffff, v3;
	v3 =	vld [tilespmem:s19+$0x20]  }
0x3f: {  	s17 =	sshrl.u32 s17, $0x2;
	v0 =	vld [tilespmem:s19+$0xFFFFFFC0];
	[tilespmem:s20+$0x1020 ss:$0x81] =	vst.msk $0xffff, v4;
	s19 =	sadd.s32 $0x80, s19  }
0x40: {  	s21 =	simm.s32 $0x4;
	s22 =	simm.s32 $0x8;
	s17 =	sor.u32 $0x8000, s17;
	[tilespmem:s20+$0x1830 ss:$0x81] =	vst.msk $0xffff, v5;
	v4 =	vld [tilespmem:s19+$0x30]  }
.LBB1_3:
0x41: {  	p1 =	sne.s32 s22, $0x1FC;
	v5 =	vld [tilespmem:s19+$0xFFFFFFD0];
	[tilespmem:s20+$0x2040 ss:$0x81] =	vst.msk $0xffff, v1  }
0x42: {  	v6 =	vld [tilespmem:s19+$0xFFFFFFE0];
	[tilespmem:s20+$0x2850 ss:$0x81] =	vst.msk $0xffff, v2  }
0x43: {  	s23 =	sshra.s32 s21, $0x2;
	s21 =	smov.u32 s22;
	v7 =	vld [tilespmem:s19+$0xFFFFFFF0];
	[tilespmem:s20+$0x3060 ss:$0x81] =	vst.msk $0xffff, v3  }
.Ltmp3:
0x44: {  	v1 =	vld [tilespmem:s19+$0x0];
	[tilespmem:s20+$0x0 ss:$0x81] =	vst.msk $0xffff, v0;
	s20 =	sadd.s32 s23, s18;
	(pc) =	sbr.rel @p1 .LBB1_3-.Ltmp3, $4  }
0x45: {  	v2 =	vld [tilespmem:s19+$0x10];
	[tilespmem:s20+$0x3870 ss:$0x81] =	vst.msk $0xffff, v4  }
0x46: {  	[tilespmem:s20+$0x810 ss:$0x81] =	vst.msk $0xffff, v5;
	v3 =	vld [tilespmem:s19+$0x20]  }
0x47: {  	v0 =	vld [tilespmem:s19+$0xFFFFFFC0];
	[tilespmem:s20+$0x1020 ss:$0x81] =	vst.msk $0xffff, v6;
	s19 =	sadd.s32 $0x80, s19  }
0x48: {  	s22 =	sadd.s32 $0x4, s22;
	v4 =	vld [tilespmem:s19+$0x30];
	[tilespmem:s20+$0x1830 ss:$0x81] =	vst.msk $0xffff, v7  }
.Ltmp4:
0x49: {  	_ = 	snop;
	(pc) =	sbr.rel .LBB1_4-.Ltmp4, $1  }
0x4a: {  	_ =	sdelay $0x3  }
.LBB1_6:
0x4b: {  	_ =	sfence.sel $0x180000  }
0x4c: {  	s1 =	simm.s32 $0x1;
	[bflag:$0x0] =	sbarrier.arrive $0xFFFF  }
0x4d: {  	s31 =	simm.s32 $0x2;
	[sflag:s1] =	ssyncpa.u1 $0x1  }
0x4e: {  	[sflag:s31] =	ssyncpa.u1 $0x1  }
0x4f: {  	p0 =	sne.s32 s0, $0x0;
	_ =	strace $0x90000047  }
0x50: {  	s0 =	sadd.s32 @!p0 $0x100000, s3;
	[bflag:$0x2] =	sbarrier.arrive $0xFFFF  }
0x51: {  	[sflag:s0] =	ssyncadd.tile.s32 @!p0 $0x1;
	_ =	shalt  }
.Lfunc_end1:
_tile_overlayer_lowered:
.L_overlay_start_2:
0x52: {  	(tag) =	ssettag $0x2  }
0x53: {  	s0 =	rddreg [dreg:$0x0];
	s2 =	stileid.u32  }
0x54: {  	s1 =	rddreg [dreg:$0x1];
	p0 =	sne.s32 s2, $0x0  }
0x55: {  	s3 =	rddreg [dreg:$0x2];
	[bflag:$0x3] =	sbarrier.arrive $0xFFFF;
	s2 =	simm.s32 @!p0 $0x1C01  }
0x56: {  	[timem:s3], [sflag:s2] =	dma.local @!p0 [hbm:s0], s1  }
0x57: {  	s0 =	simm.s32 @!p0 $0x1  }
0x58: {  	_ =	swait.ge @!p0 [sflag:s0], s1  }
0x59: {  	s1 =	ssub.s32 @!p0 $0x0, s1;
	[sflag:s0] =	ssyncset.done @!p0 $0x0  }
0x5a: {  	[sflag:s0] =	ssyncadd.s32 @!p0 s1  }
0x5b: {  	[bflag:$0x3] =	sbarrier.arrive $0xFFFF  }
0x5c: {  	_ =	shalt  }

</sc_bundles>
